<compile_context>
chip_gen: v7x
topology: tpu7x:2x2x1
jax: 0.10.2.dev20260603
libtpu: 0.0.44.dev20260713+nightly
codegen_flags: <defaults>
</compile_context>

<pallas_src>
import functools

import jax
import jax.numpy as jnp
from jax import lax
from jax.experimental import pallas as pl
from jax.experimental.pallas import tpu as pltpu
from jax.experimental.pallas import tpu_sc as plsc

N = 4608
D = 256
K = 1024
EPSILON = 0.01

BN = 1536
BF = 768
_T = N // BN
_TF = N // BF

_SC_CORES = 2
_SC_SUBCORES = 16
_NW = _SC_CORES * _SC_SUBCORES
_BPW = N // _NW


def _dist_body(z_ref, cb_ref, zn_ref, cn_ref, idx_ref, dmin_ref, ent_ref):
    zb = z_ref[...]
    cb = cb_ref[...]
    g = lax.dot_general(zb, cb, (((1,), (1,)), ((), ())),
                        preferred_element_type=jnp.float32)
    zn = zn_ref[...].reshape(BN, 1)
    cn = cn_ref[...].reshape(K)
    d2 = zn - 2.0 * g + cn[None, :]
    d = jnp.sqrt(jnp.maximum(d2, 1e-12))

    dmin = jnp.min(d, axis=1)
    iota = lax.broadcasted_iota(jnp.int32, d.shape, 1)
    hit = jnp.where(d == dmin[:, None], iota, K)
    idx = jnp.min(hit, axis=1)
    idx_ref[...] = idx.astype(jnp.int32).reshape(1, 1, BN)
    dmin_ref[...] = dmin.reshape(1, 1, BN)

    x = dmin[:, None] - d
    e = jnp.exp(x)
    s = jnp.sum(e, axis=1)
    sx = jnp.sum(e * x, axis=1)
    ent_ref[...] = (jnp.log(s) - sx / s).reshape(1, 1, BN)


_dist_call = pl.pallas_call(
    _dist_body,
    grid=(_T,),
    in_specs=[
        pl.BlockSpec((BN, D), lambda i: (i, 0)),
        pl.BlockSpec((K, D), lambda i: (0, 0)),
        pl.BlockSpec((1, 1, BN), lambda i: (i, 0, 0)),
        pl.BlockSpec((1, 1, K), lambda i: (0, 0, 0)),
    ],
    out_specs=[
        pl.BlockSpec((1, 1, BN), lambda i: (i, 0, 0)),
        pl.BlockSpec((1, 1, BN), lambda i: (i, 0, 0)),
        pl.BlockSpec((1, 1, BN), lambda i: (i, 0, 0)),
    ],
    out_shape=[
        jax.ShapeDtypeStruct((_T, 1, BN), jnp.int32),
        jax.ShapeDtypeStruct((_T, 1, BN), jnp.float32),
        jax.ShapeDtypeStruct((_T, 1, BN), jnp.float32),
    ],
)


@functools.cache
def _sc_gather_call():
    @functools.partial(
        pl.kernel,
        mesh=plsc.VectorSubcoreMesh(core_axis_name="c", subcore_axis_name="s"),
        out_type=jax.ShapeDtypeStruct((N, D), jnp.float32),
        scratch_types=[
            pltpu.VMEM((_BPW,), jnp.int32),
            pltpu.VMEM((_BPW, D), jnp.float32),
            pltpu.SemaphoreType.DMA,
        ],
    )
    def _sc_gather(cb_hbm, idx_hbm, out_hbm, idx_v, rows_v, sem):
        wid = lax.axis_index("s") * _SC_CORES + lax.axis_index("c")
        base = wid * _BPW
        pltpu.sync_copy(idx_hbm.at[pl.ds(base, _BPW)], idx_v)
        pltpu.async_copy(cb_hbm.at[idx_v], rows_v, sem).wait()
        pltpu.sync_copy(rows_v, out_hbm.at[pl.ds(base, _BPW)])

    return _sc_gather


def _fill_body(y_ref, cb_ref, idx_ref, dmin_ref, ent_ref, loss_ref, err_ref):
    c = (jnp.sum(dmin_ref[...]) + 0.1 * jnp.sum(ent_ref[...])) / N
    loss_ref[...] = jnp.full((BF, N), c, dtype=jnp.float32)

    yb = y_ref[...]
    cb = cb_ref[...]
    idx = idx_ref[...].reshape(BF)
    iota = lax.broadcasted_iota(jnp.int32, (BF, K), 1)
    onehot = jnp.where(iota == idx[:, None], 1.0, 0.0)
    qr = lax.dot_general(onehot, cb, (((1,), (0,)), ((), ())),
                         preferred_element_type=jnp.float32)
    df = yb - qr
    dev2 = jnp.sum(df * df, axis=1)
    err = (jnp.sqrt(dev2) > EPSILON).astype(jnp.float32)
    err_ref[...] = err.reshape(1, 1, BF)


_fill_call = pl.pallas_call(
    _fill_body,
    grid=(_TF,),
    in_specs=[
        pl.BlockSpec((BF, D), lambda i: (i, 0)),
        pl.BlockSpec((K, D), lambda i: (0, 0)),
        pl.BlockSpec((1, 1, BF), lambda i: (i // 2, 0, i % 2)),
        pl.BlockSpec((_T, 1, BN), lambda i: (0, 0, 0)),
        pl.BlockSpec((_T, 1, BN), lambda i: (0, 0, 0)),
    ],
    out_specs=[
        pl.BlockSpec((BF, N), lambda i: (i, 0)),
        pl.BlockSpec((1, 1, BF), lambda i: (i // 2, 0, i % 2)),
    ],
    out_shape=[
        jax.ShapeDtypeStruct((N, N), jnp.float32),
        jax.ShapeDtypeStruct((_TF // 2, 1, BN), jnp.float32),
    ],
)


def kernel(z, y_base, codebook, iter_k):
    zn = jnp.sum(z * z, axis=-1).reshape(_T, 1, BN)
    cn = jnp.sum(codebook * codebook, axis=-1).reshape(1, 1, K)
    idx, dmin, ent = _dist_call(z, codebook, zn, cn)
    quantized = _sc_gather_call()(codebook, idx.reshape(N))
    quant_loss, error_times = _fill_call(y_base, codebook, idx, dmin, ent)
    return quantized, quant_loss, error_times.reshape(N)

# --- scband reference (transcript-rebuilt; emitter-appended) ---
"""Pipeline reference for scband-feature-quantizer-28157805592715 (READ-ONLY COPY).

The authoritative reference and input builder live on the scoring server;
editing this copy changes nothing except your own understanding.
"""

import jax, jax.numpy as jnp
import numpy as np

N = 4608
D = 256
K = 1024
BETA0 = 0.1
GAMMA = 0.01
EPSILON = 0.01


def setup_inputs(seed: int = 0) -> dict:
    key = jax.random.key(seed)
    k1, k2, k3 = jax.random.split(key, 3)
    z = jax.random.normal(k1, (N, D), dtype=jnp.float32)
    y_base = jax.random.normal(k2, (N, D), dtype=jnp.float32)
    codebook = jax.random.normal(k3, (K, D), dtype=jnp.float32)
    return {"z": z, "y_base": y_base, "codebook": codebook, "iter_k": 0}


def _cdist(a, b):
    # Euclidean cdist, same as torch.cdist(p=2)
    d2 = (jnp.sum(a * a, axis=-1, keepdims=True)
          - 2.0 * (a @ b.T)
          + jnp.sum(b * b, axis=-1)[None, :])
    return jnp.sqrt(jnp.maximum(d2, 1e-12))


def reference(z, y_base, codebook, iter_k=0):
    # encrypt_if_enabled treated as identity (encryption disabled)
    z_enc = z
    distances = _cdist(z_enc, codebook)
    indices = jnp.argmin(distances, axis=-1)
    quantized = codebook[indices]
    probs = jax.nn.softmax(-distances, axis=-1)
    entropy = -jnp.sum(probs * jnp.log(probs + 1e-10), axis=-1).mean()
    error_times = jnp.zeros(indices.shape[0], dtype=jnp.float32)
    deviation = jnp.linalg.norm(quantized - y_base, axis=-1)
    error_times = error_times + (deviation > EPSILON).astype(jnp.float32)
    grad_error = jnp.zeros_like(error_times) * iter_k
    beta_k = BETA0 / (1.0 + GAMMA * iter_k)
    # 'image' not in str(type(z)) -> 0.5 for every row
    v_visual = jnp.full((z.shape[0],), 0.5, dtype=jnp.float32)
    w = jnp.exp(-beta_k * jnp.abs(grad_error) * v_visual[:, None])
    # auto_derive_rules(['A','B']) -> 2 trivial rules, both below complexity cap
    # valid_mask = all True -> keep-all (no-op row selection)
    quant_loss = w * jnp.linalg.norm(z_enc - quantized, axis=-1).mean() + 0.1 * entropy
    return (quantized, quant_loss, error_times)

if __name__ == "__main__":
    import jax
    _d = setup_inputs()
    print(jax.jit(kernel)(*tuple(_d.values())))

</pallas_src>

<mosaic_0001>
#map = affine_map<(d0, d1) -> (0, 0)>
#map1 = affine_map<(d0, d1) -> (0)>
module attributes {stable_mosaic.version = 14 : i64} {
  func.func @_sc_gather(%arg0: i32, %arg1: i32, %arg2: memref<1024x256xf32, #tpu.memory_space<hbm>>, %arg3: memref<4608xi32, #tpu.memory_space<hbm>>, %arg4: memref<4608x256xf32, #tpu.memory_space<hbm>>, %arg5: memref<144xi32, #tpu.memory_space<vmem>>, %arg6: memref<144x256xf32, #tpu.memory_space<vmem>>, %arg7: memref<!tpu.dma_semaphore, #tpu.memory_space<semaphore_mem>>) attributes {dimension_semantics = [#tpu.dimension_semantics<core_parallel>, #tpu.dimension_semantics<subcore_parallel>], iteration_bounds = array<i64: 2, 16>, scalar_prefetch = 0 : i64, scratch_operands = 3 : i64, tpu.core_type = #tpu.core_type<sc_vector_subcore>, window_params = [{transform_indices = #map}, {transform_indices = #map1}, {transform_indices = #map}]} {
    %mul3A = arith.constant 2 : i32
    %mul3A_0 = arith.muli %arg1, %mul3A : i32
    %add3A = arith.addi %mul3A_0, %arg0 : i32
    %mul3A_1 = arith.constant 144 : i32
    %mul3A_2 = arith.muli %add3A, %mul3A_1 : i32
    "tpu.region"() ({
      %run_scoped3A = tpu.sem_alloc : memref<!tpu.dma_semaphore, #tpu.memory_space<semaphore_mem>>
      %dma_start3A_7 = tpu.memref_slice %arg3[%mul3A_2] : memref<4608xi32, #tpu.memory_space<hbm>> -> memref<144xi32, #tpu.memory_space<hbm>>
      %dma_start3A_8 = tpu.memref_slice %arg3[%mul3A_2] : memref<4608xi32, #tpu.memory_space<hbm>> -> memref<144xi32, #tpu.memory_space<hbm>>
      tpu.enqueue_dma source(%dma_start3A_8 : memref<144xi32, #tpu.memory_space<hbm>>) target(%arg5 : memref<144xi32, #tpu.memory_space<vmem>>) target_semaphore(%run_scoped3A : memref<!tpu.dma_semaphore, #tpu.memory_space<semaphore_mem>>)
      %dma_wait3A_9 = tpu.memref_slice %arg3[%mul3A_2] : memref<4608xi32, #tpu.memory_space<hbm>> -> memref<144xi32, #tpu.memory_space<hbm>>
      %dma_wait3A_10 = tpu.memref_slice %arg3[%mul3A_2] : memref<4608xi32, #tpu.memory_space<hbm>> -> memref<144xi32, #tpu.memory_space<hbm>>
      tpu.wait_dma2 semaphore(%run_scoped3A : memref<!tpu.dma_semaphore, #tpu.memory_space<semaphore_mem>>) src(%dma_wait3A_10 : memref<144xi32, #tpu.memory_space<hbm>>) dst(%arg5 : memref<144xi32, #tpu.memory_space<vmem>>)
      tpu.yield
    }) : () -> ()
    %dma_start3A = arith.constant 0 : i32
    %dma_start3A_3 = arith.constant 0 : i32
    %dma_start3A_4 = tpu.memref_slice %arg2[%dma_start3A, %dma_start3A_3] : memref<1024x256xf32, #tpu.memory_space<hbm>> -> memref<1024x256xf32, #tpu.memory_space<hbm>>
    tpu.enqueue_indirect_dma source(%dma_start3A_4 : memref<1024x256xf32, #tpu.memory_space<hbm>>) target(%arg6 : memref<144x256xf32, #tpu.memory_space<vmem>>) offsets(%arg5 : memref<144xi32, #tpu.memory_space<vmem>>) semaphore(%arg7 : memref<!tpu.dma_semaphore, #tpu.memory_space<semaphore_mem>>)
    %dma_wait3A = arith.constant 0 : i32
    %dma_wait3A_5 = arith.constant 0 : i32
    %dma_wait3A_6 = tpu.memref_slice %arg2[%dma_wait3A, %dma_wait3A_5] : memref<1024x256xf32, #tpu.memory_space<hbm>> -> memref<1024x256xf32, #tpu.memory_space<hbm>>
    tpu.wait_indirect_dma semaphore(%arg7 : memref<!tpu.dma_semaphore, #tpu.memory_space<semaphore_mem>>) src(%dma_wait3A_6 : memref<1024x256xf32, #tpu.memory_space<hbm>>) dst(%arg6 : memref<144x256xf32, #tpu.memory_space<vmem>>)
    "tpu.region"() ({
      %run_scoped3A = tpu.sem_alloc : memref<!tpu.dma_semaphore, #tpu.memory_space<semaphore_mem>>
      %dma_start3A_7 = arith.constant 0 : i32
      %dma_start3A_8 = tpu.memref_slice %arg4[%mul3A_2, %dma_start3A_7] : memref<4608x256xf32, #tpu.memory_space<hbm>> -> memref<144x256xf32, #tpu.memory_space<hbm>>
      %dma_start3A_9 = arith.constant 0 : i32
      %dma_start3A_10 = tpu.memref_slice %arg4[%mul3A_2, %dma_start3A_9] : memref<4608x256xf32, #tpu.memory_space<hbm>> -> memref<144x256xf32, #tpu.memory_space<hbm>>
      tpu.enqueue_dma source(%arg6 : memref<144x256xf32, #tpu.memory_space<vmem>>) target(%dma_start3A_10 : memref<144x256xf32, #tpu.memory_space<hbm>>) target_semaphore(%run_scoped3A : memref<!tpu.dma_semaphore, #tpu.memory_space<semaphore_mem>>)
      %dma_wait3A_11 = arith.constant 0 : i32
      %dma_wait3A_12 = tpu.memref_slice %arg4[%mul3A_2, %dma_wait3A_11] : memref<4608x256xf32, #tpu.memory_space<hbm>> -> memref<144x256xf32, #tpu.memory_space<hbm>>
      %dma_wait3A_13 = arith.constant 0 : i32
      %dma_wait3A_14 = tpu.memref_slice %arg4[%mul3A_2, %dma_wait3A_13] : memref<4608x256xf32, #tpu.memory_space<hbm>> -> memref<144x256xf32, #tpu.memory_space<hbm>>
      tpu.wait_dma2 semaphore(%run_scoped3A : memref<!tpu.dma_semaphore, #tpu.memory_space<semaphore_mem>>) src(%arg6 : memref<144x256xf32, #tpu.memory_space<vmem>>) dst(%dma_wait3A_14 : memref<144x256xf32, #tpu.memory_space<hbm>>)
      tpu.yield
    }) : () -> ()
    return
  }
}

module attributes {stable_mosaic.version = 14 : i64} {
  func.func @_dist_body(%arg0: i32, %arg1: memref<1536x256xf32, #tpu.memory_space<vmem>>, %arg2: memref<1024x256xf32, #tpu.memory_space<vmem>>, %arg3: memref<1x1x1536xf32, #tpu.memory_space<vmem>>, %arg4: memref<1x1x1024xf32, #tpu.memory_space<vmem>>, %arg5: memref<1x1x1536xi32, #tpu.memory_space<vmem>>, %arg6: memref<1x1x1536xf32, #tpu.memory_space<vmem>>, %arg7: memref<1x1x1536xf32, #tpu.memory_space<vmem>>) attributes {dimension_semantics = [#tpu.dimension_semantics<arbitrary>], iteration_bounds = array<i64: 3>, scalar_prefetch = 0 : i64, scratch_operands = 0 : i64, tpu.core_type = #tpu.core_type<tc>, window_params = [{transform_indices = @transform_0, window_bounds = array<i64: 1536, 256>}, {pipeline_mode = #tpu.pipeline_mode<synchronous>, transform_indices = @transform_1, window_bounds = array<i64: 1024, 256>}, {transform_indices = @transform_2, window_bounds = array<i64: 1, 1, 1536>}, {pipeline_mode = #tpu.pipeline_mode<synchronous>, transform_indices = @transform_3, window_bounds = array<i64: 1, 1, 1024>}, {transform_indices = @transform_4, window_bounds = array<i64: 1, 1, 1536>}, {transform_indices = @transform_5, window_bounds = array<i64: 1, 1, 1536>}, {transform_indices = @transform_6, window_bounds = array<i64: 1, 1, 1536>}]} {
    %get3A = arith.constant 0 : index
    %get3A_0 = arith.constant 0 : index
    %get3A_1 = vector.load %arg1[%get3A, %get3A_0] : memref<1536x256xf32, #tpu.memory_space<vmem>>, vector<1536x256xf32>
    %get3A_2 = arith.constant 0 : index
    %get3A_3 = arith.constant 0 : index
    %get3A_4 = vector.load %arg2[%get3A_2, %get3A_3] : memref<1024x256xf32, #tpu.memory_space<vmem>>, vector<1024x256xf32>
    %dot_general3A = arith.constant dense<0.000000e+00> : vector<1536x1024xf32>
    %dot_general3A_5 = tpu.matmul %get3A_1, %get3A_4, %dot_general3A {dimension_numbers = #tpu.dot_dimension_numbers<[1], [1], [0], [0], [0, 0, 1, 0], [], []>, transpose_lhs_hint = false} : vector<1536x256xf32>, vector<1024x256xf32>, vector<1536x1024xf32> -> vector<1536x1024xf32>
    %get3A_6 = arith.constant 0 : index
    %get3A_7 = arith.constant 0 : index
    %get3A_8 = arith.constant 0 : index
    %get3A_9 = vector.load %arg3[%get3A_6, %get3A_7, %get3A_8] : memref<1x1x1536xf32, #tpu.memory_space<vmem>>, vector<1x1x1536xf32>
    %reshape3A = vector.shape_cast %get3A_9 : vector<1x1x1536xf32> to vector<1536x1xf32>
    %get3A_10 = arith.constant 0 : index
    %get3A_11 = arith.constant 0 : index
    %get3A_12 = arith.constant 0 : index
    %get3A_13 = vector.load %arg4[%get3A_10, %get3A_11, %get3A_12] : memref<1x1x1024xf32, #tpu.memory_space<vmem>>, vector<1x1x1024xf32>
    %reshape3A_14 = vector.shape_cast %get3A_13 : vector<1x1x1024xf32> to vector<1024xf32>
    %mul3A = arith.constant 2.000000e+00 : f32
    %mul3A_15 = vector.broadcast %mul3A : f32 to vector<1536x1024xf32>
    %mul3A_16 = arith.mulf %mul3A_15, %dot_general3A_5 : vector<1536x1024xf32>
    %sub3A = vector.broadcast %reshape3A : vector<1536x1xf32> to vector<1536x1024xf32>
    %sub3A_17 = arith.subf %sub3A, %mul3A_16 : vector<1536x1024xf32>
    %broadcast_in_dim3A = vector.shape_cast %reshape3A_14 : vector<1024xf32> to vector<1x1024xf32>
    %add3A = vector.broadcast %broadcast_in_dim3A : vector<1x1024xf32> to vector<1536x1024xf32>
    %add3A_18 = arith.addf %sub3A_17, %add3A : vector<1536x1024xf32>
    %max3A = arith.constant 9.99999996E-13 : f32
    %max3A_19 = vector.broadcast %max3A : f32 to vector<1536x1024xf32>
    %max3A_20 = arith.maximumf %add3A_18, %max3A_19 : vector<1536x1024xf32>
    %sqrt3A = math.sqrt %max3A_20 : vector<1536x1024xf32>
    %reduce_min3A = arith.constant dense<0x7F800000> : vector<1536xf32>
    %reduce_min3A_21 = vector.multi_reduction <minimumf>, %sqrt3A, %reduce_min3A [1] : vector<1536x1024xf32> to vector<1536xf32>
    %iota3A = tpu.iota {dimensions = array<i32: 1>} : vector<1536x1024xi32>
    %broadcast_in_dim3A_22 = vector.shape_cast %reduce_min3A_21 : vector<1536xf32> to vector<1536x1xf32>
    %eq3A = vector.broadcast %broadcast_in_dim3A_22 : vector<1536x1xf32> to vector<1536x1024xf32>
    %eq3A_23 = arith.cmpf oeq, %sqrt3A, %eq3A : vector<1536x1024xf32>
    %jit3A = arith.constant 1024 : i32
    %broadcast_in_dim3A_24 = vector.broadcast %jit3A : i32 to vector<1536x1024xi32>
    %select_n3A = arith.select %eq3A_23, %iota3A, %broadcast_in_dim3A_24 : vector<1536x1024xi1>, vector<1536x1024xi32>
    %reduce_min3A_25 = arith.constant dense<2147483647> : vector<1536xi32>
    %reduce_min3A_26 = vector.multi_reduction <minsi>, %select_n3A, %reduce_min3A_25 [1] : vector<1536x1024xi32> to vector<1536xi32>
    %reshape3A_27 = vector.shape_cast %reduce_min3A_26 : vector<1536xi32> to vector<1x1x1536xi32>
    %swap3A = arith.constant 0 : index
    %swap3A_28 = arith.constant 0 : index
    %swap3A_29 = arith.constant 0 : index
    %swap3A_30 = vector.load %arg5[%swap3A, %swap3A_28, %swap3A_29] : memref<1x1x1536xi32, #tpu.memory_space<vmem>>, vector<1x1x1536xi32>
    tpu.vector_store %arg5[%swap3A, %swap3A_28, %swap3A_29], %reshape3A_27 {strides = array<i32>} : memref<1x1x1536xi32, #tpu.memory_space<vmem>>, vector<1x1x1536xi32>,
    %reshape3A_31 = vector.shape_cast %reduce_min3A_21 : vector<1536xf32> to vector<1x1x1536xf32>
    %swap3A_32 = arith.constant 0 : index
    %swap3A_33 = arith.constant 0 : index
    %swap3A_34 = arith.constant 0 : index
    %swap3A_35 = vector.load %arg6[%swap3A_32, %swap3A_33, %swap3A_34] : memref<1x1x1536xf32, #tpu.memory_space<vmem>>, vector<1x1x1536xf32>
    tpu.vector_store %arg6[%swap3A_32, %swap3A_33, %swap3A_34], %reshape3A_31 {strides = array<i32>} : memref<1x1x1536xf32, #tpu.memory_space<vmem>>, vector<1x1x1536xf32>,
    %broadcast_in_dim3A_36 = vector.shape_cast %reduce_min3A_21 : vector<1536xf32> to vector<1536x1xf32>
    %sub3A_37 = vector.broadcast %broadcast_in_dim3A_36 : vector<1536x1xf32> to vector<1536x1024xf32>
    %sub3A_38 = arith.subf %sub3A_37, %sqrt3A : vector<1536x1024xf32>
    %exp3A = math.exp %sub3A_38 : vector<1536x1024xf32>
    %reduce_sum3A = arith.constant dense<0.000000e+00> : vector<1536xf32>
    %reduce_sum3A_39 = vector.multi_reduction <add>, %exp3A, %reduce_sum3A [1] : vector<1536x1024xf32> to vector<1536xf32>
    %mul3A_40 = arith.mulf %exp3A, %sub3A_38 : vector<1536x1024xf32>
    %reduce_sum3A_41 = arith.constant dense<0.000000e+00> : vector<1536xf32>
    %reduce_sum3A_42 = vector.multi_reduction <add>, %mul3A_40, %reduce_sum3A_41 [1] : vector<1536x1024xf32> to vector<1536xf32>
    %log3A = math.log %reduce_sum3A_39 : vector<1536xf32>
    %div3A = arith.divf %reduce_sum3A_42, %reduce_sum3A_39 : vector<1536xf32>
    %sub3A_43 = arith.subf %log3A, %div3A : vector<1536xf32>
    %reshape3A_44 = vector.shape_cast %sub3A_43 : vector<1536xf32> to vector<1x1x1536xf32>
    %swap3A_45 = arith.constant 0 : index
    %swap3A_46 = arith.constant 0 : index
    %swap3A_47 = arith.constant 0 : index
    %swap3A_48 = vector.load %arg7[%swap3A_45, %swap3A_46, %swap3A_47] : memref<1x1x1536xf32, #tpu.memory_space<vmem>>, vector<1x1x1536xf32>
    tpu.vector_store %arg7[%swap3A_45, %swap3A_46, %swap3A_47], %reshape3A_44 {strides = array<i32>} : memref<1x1x1536xf32, #tpu.memory_space<vmem>>, vector<1x1x1536xf32>,
    return
  }
  func.func @transform_0(%arg0: i32) -> (i32, i32) {
    %c0_i32 = arith.constant 0 : i32
    %c0_i32_0 = arith.constant 0 : i32
    return %arg0, %c0_i32 : i32, i32
  }
  func.func @transform_1(%arg0: i32) -> (i32, i32) {
    %c0_i32 = arith.constant 0 : i32
    %c0_i32_0 = arith.constant 0 : i32
    %c0_i32_1 = arith.constant 0 : i32
    return %c0_i32, %c0_i32_0 : i32, i32
  }
  func.func @transform_2(%arg0: i32) -> (i32, i32, i32) {
    %c0_i32 = arith.constant 0 : i32
    %c0_i32_0 = arith.constant 0 : i32
    %c0_i32_1 = arith.constant 0 : i32
    return %arg0, %c0_i32, %c0_i32_0 : i32, i32, i32
  }
  func.func @transform_3(%arg0: i32) -> (i32, i32, i32) {
    %c0_i32 = arith.constant 0 : i32
    %c0_i32_0 = arith.constant 0 : i32
    %c0_i32_1 = arith.constant 0 : i32
    %c0_i32_2 = arith.constant 0 : i32
    return %c0_i32, %c0_i32_0, %c0_i32_1 : i32, i32, i32
  }
  func.func @transform_4(%arg0: i32) -> (i32, i32, i32) {
    %c0_i32 = arith.constant 0 : i32
    %c0_i32_0 = arith.constant 0 : i32
    %c0_i32_1 = arith.constant 0 : i32
    return %arg0, %c0_i32, %c0_i32_0 : i32, i32, i32
  }
  func.func @transform_5(%arg0: i32) -> (i32, i32, i32) {
    %c0_i32 = arith.constant 0 : i32
    %c0_i32_0 = arith.constant 0 : i32
    %c0_i32_1 = arith.constant 0 : i32
    return %arg0, %c0_i32, %c0_i32_0 : i32, i32, i32
  }
  func.func @transform_6(%arg0: i32) -> (i32, i32, i32) {
    %c0_i32 = arith.constant 0 : i32
    %c0_i32_0 = arith.constant 0 : i32
    %c0_i32_1 = arith.constant 0 : i32
    return %arg0, %c0_i32, %c0_i32_0 : i32, i32, i32
  }
}

module attributes {stable_mosaic.version = 14 : i64} {
  func.func @_fill_body(%arg0: i32, %arg1: memref<768x256xf32, #tpu.memory_space<vmem>>, %arg2: memref<1024x256xf32, #tpu.memory_space<vmem>>, %arg3: memref<1x1x768xi32, #tpu.memory_space<vmem>>, %arg4: memref<3x1x1536xf32, #tpu.memory_space<vmem>>, %arg5: memref<3x1x1536xf32, #tpu.memory_space<vmem>>, %arg6: memref<768x4608xf32, #tpu.memory_space<vmem>>, %arg7: memref<1x1x768xf32, #tpu.memory_space<vmem>>) attributes {dimension_semantics = [#tpu.dimension_semantics<arbitrary>], iteration_bounds = array<i64: 6>, scalar_prefetch = 0 : i64, scratch_operands = 0 : i64, tpu.core_type = #tpu.core_type<tc>, window_params = [{transform_indices = @transform_0, window_bounds = array<i64: 768, 256>}, {pipeline_mode = #tpu.pipeline_mode<synchronous>, transform_indices = @transform_1, window_bounds = array<i64: 1024, 256>}, {transform_indices = @transform_2, window_bounds = array<i64: 1, 1, 768>}, {pipeline_mode = #tpu.pipeline_mode<synchronous>, transform_indices = @transform_3, window_bounds = array<i64: 3, 1, 1536>}, {pipeline_mode = #tpu.pipeline_mode<synchronous>, transform_indices = @transform_4, window_bounds = array<i64: 3, 1, 1536>}, {transform_indices = @transform_5, window_bounds = array<i64: 768, 4608>}, {transform_indices = @transform_6, window_bounds = array<i64: 1, 1, 768>}]} {
    %get3A = arith.constant 0 : index
    %get3A_0 = arith.constant 0 : index
    %get3A_1 = arith.constant 0 : index
    %get3A_2 = vector.load %arg4[%get3A, %get3A_0, %get3A_1] : memref<3x1x1536xf32, #tpu.memory_space<vmem>>, vector<3x1x1536xf32>
    %reduce_sum3A = vector.shape_cast %get3A_2 : vector<3x1x1536xf32> to vector<1x3x1x1536xf32>
    %reduce_sum3A_3 = arith.constant dense<0.000000e+00> : vector<1xf32>
    %reduce_sum3A_4 = vector.multi_reduction <add>, %reduce_sum3A, %reduce_sum3A_3 [1, 2, 3] : vector<1x3x1x1536xf32> to vector<1xf32>
    %reduce_sum3A_5 = vector.shape_cast %reduce_sum3A_4 : vector<1xf32> to vector<1x1x1x1xf32>
    %reduce_sum3A_6 = vector.extract %reduce_sum3A_5[0, 0, 0, 0] : f32 from vector<1x1x1x1xf32>
    %get3A_7 = arith.constant 0 : index
    %get3A_8 = arith.constant 0 : index
    %get3A_9 = arith.constant 0 : index
    %get3A_10 = vector.load %arg5[%get3A_7, %get3A_8, %get3A_9] : memref<3x1x1536xf32, #tpu.memory_space<vmem>>, vector<3x1x1536xf32>
    %reduce_sum3A_11 = vector.shape_cast %get3A_10 : vector<3x1x1536xf32> to vector<1x3x1x1536xf32>
    %reduce_sum3A_12 = arith.constant dense<0.000000e+00> : vector<1xf32>
    %reduce_sum3A_13 = vector.multi_reduction <add>, %reduce_sum3A_11, %reduce_sum3A_12 [1, 2, 3] : vector<1x3x1x1536xf32> to vector<1xf32>
    %reduce_sum3A_14 = vector.shape_cast %reduce_sum3A_13 : vector<1xf32> to vector<1x1x1x1xf32>
    %reduce_sum3A_15 = vector.extract %reduce_sum3A_14[0, 0, 0, 0] : f32 from vector<1x1x1x1xf32>
    %mul3A = arith.constant 1.000000e-01 : f32
    %mul3A_16 = arith.mulf %mul3A, %reduce_sum3A_15 : f32
    %add3A = arith.addf %reduce_sum3A_6, %mul3A_16 : f32
    %div3A = arith.constant 4.608000e+03 : f32
    %div3A_17 = arith.divf %add3A, %div3A : f32
    %broadcast_in_dim3A = vector.broadcast %div3A_17 : f32 to vector<768x4608xf32>
    %swap3A = arith.constant 0 : index
    %swap3A_18 = arith.constant 0 : index
    %swap3A_19 = vector.load %arg6[%swap3A, %swap3A_18] : memref<768x4608xf32, #tpu.memory_space<vmem>>, vector<768x4608xf32>
    tpu.vector_store %arg6[%swap3A, %swap3A_18], %broadcast_in_dim3A {strides = array<i32>} : memref<768x4608xf32, #tpu.memory_space<vmem>>, vector<768x4608xf32>,
    %get3A_20 = arith.constant 0 : index
    %get3A_21 = arith.constant 0 : index
    %get3A_22 = vector.load %arg1[%get3A_20, %get3A_21] : memref<768x256xf32, #tpu.memory_space<vmem>>, vector<768x256xf32>
    %get3A_23 = arith.constant 0 : index
    %get3A_24 = arith.constant 0 : index
    %get3A_25 = vector.load %arg2[%get3A_23, %get3A_24] : memref<1024x256xf32, #tpu.memory_space<vmem>>, vector<1024x256xf32>
    %get3A_26 = arith.constant 0 : index
    %get3A_27 = arith.constant 0 : index
    %get3A_28 = arith.constant 0 : index
    %get3A_29 = vector.load %arg3[%get3A_26, %get3A_27, %get3A_28] : memref<1x1x768xi32, #tpu.memory_space<vmem>>, vector<1x1x768xi32>
    %reshape3A = vector.shape_cast %get3A_29 : vector<1x1x768xi32> to vector<768xi32>
    %iota3A = tpu.iota {dimensions = array<i32: 1>} : vector<768x1024xi32>
    %broadcast_in_dim3A_30 = vector.shape_cast %reshape3A : vector<768xi32> to vector<768x1xi32>
    %eq3A = vector.broadcast %broadcast_in_dim3A_30 : vector<768x1xi32> to vector<768x1024xi32>
    %eq3A_31 = arith.cmpi eq, %iota3A, %eq3A : vector<768x1024xi32>
    %jit3A = arith.constant 1.000000e+00 : f32
    %jit3A_32 = arith.constant 0.000000e+00 : f32
    %broadcast_in_dim3A_33 = vector.broadcast %jit3A : f32 to vector<768x1024xf32>
    %broadcast_in_dim3A_34 = vector.broadcast %jit3A_32 : f32 to vector<768x1024xf32>
    %select_n3A = arith.select %eq3A_31, %broadcast_in_dim3A_33, %broadcast_in_dim3A_34 : vector<768x1024xi1>, vector<768x1024xf32>
    %dot_general3A = arith.constant dense<0.000000e+00> : vector<768x256xf32>
    %dot_general3A_35 = tpu.matmul %select_n3A, %get3A_25, %dot_general3A {dimension_numbers = #tpu.dot_dimension_numbers<[1], [0], [0], [1], [0, 0, 1, 1], [], []>, transpose_lhs_hint = false} : vector<768x1024xf32>, vector<1024x256xf32>, vector<768x256xf32> -> vector<768x256xf32>
    %sub3A = arith.subf %get3A_22, %dot_general3A_35 : vector<768x256xf32>
    %mul3A_36 = arith.mulf %sub3A, %sub3A : vector<768x256xf32>
    %reduce_sum3A_37 = arith.constant dense<0.000000e+00> : vector<768xf32>
    %reduce_sum3A_38 = vector.multi_reduction <add>, %mul3A_36, %reduce_sum3A_37 [1] : vector<768x256xf32> to vector<768xf32>
    %sqrt3A = math.sqrt %reduce_sum3A_38 : vector<768xf32>
    %gt3A = arith.constant 0.00999999977 : f32
    %gt3A_39 = vector.broadcast %gt3A : f32 to vector<768xf32>
    %gt3A_40 = arith.cmpf ogt, %sqrt3A, %gt3A_39 : vector<768xf32>
    %convert_element_type3A = arith.extui %gt3A_40 : vector<768xi1> to vector<768xi32>
    %convert_element_type3A_41 = arith.sitofp %convert_element_type3A : vector<768xi32> to vector<768xf32>
    %reshape3A_42 = vector.shape_cast %convert_element_type3A_41 : vector<768xf32> to vector<1x1x768xf32>
    %swap3A_43 = arith.constant 0 : index
    %swap3A_44 = arith.constant 0 : index
    %swap3A_45 = arith.constant 0 : index
    %swap3A_46 = vector.load %arg7[%swap3A_43, %swap3A_44, %swap3A_45] : memref<1x1x768xf32, #tpu.memory_space<vmem>>, vector<1x1x768xf32>
    tpu.vector_store %arg7[%swap3A_43, %swap3A_44, %swap3A_45], %reshape3A_42 {strides = array<i32>} : memref<1x1x768xf32, #tpu.memory_space<vmem>>, vector<1x1x768xf32>,
    return
  }
  func.func @transform_0(%arg0: i32) -> (i32, i32) {
    %c0_i32 = arith.constant 0 : i32
    %c0_i32_0 = arith.constant 0 : i32
    return %arg0, %c0_i32 : i32, i32
  }
  func.func @transform_1(%arg0: i32) -> (i32, i32) {
    %c0_i32 = arith.constant 0 : i32
    %c0_i32_0 = arith.constant 0 : i32
    %c0_i32_1 = arith.constant 0 : i32
    return %c0_i32, %c0_i32_0 : i32, i32
  }
  func.func @transform_2(%arg0: i32) -> (i32, i32, i32) {
    %jit3A = arith.constant 2 : i32
    %div3A = arith.divsi %arg0, %jit3A : i32
    %sign3A = arith.constant 0 : i32
    %sign3A_0 = arith.cmpi sgt, %arg0, %sign3A : i32
    %sign3A_1 = arith.extui %sign3A_0 : i1 to i32
    %sign3A_2 = arith.constant 0 : i32
    %sign3A_3 = arith.cmpi slt, %arg0, %sign3A_2 : i32
    %sign3A_4 = arith.extui %sign3A_3 : i1 to i32
    %sign3A_5 = arith.subi %sign3A_1, %sign3A_4 : i32
    %sign3A_6 = arith.constant 0 : i32
    %sign3A_7 = arith.cmpi sgt, %jit3A, %sign3A_6 : i32
    %sign3A_8 = arith.extui %sign3A_7 : i1 to i32
    %sign3A_9 = arith.constant 0 : i32
    %sign3A_10 = arith.cmpi slt, %jit3A, %sign3A_9 : i32
    %sign3A_11 = arith.extui %sign3A_10 : i1 to i32
    %sign3A_12 = arith.subi %sign3A_8, %sign3A_11 : i32
    %ne3A = arith.cmpi ne, %sign3A_5, %sign3A_12 : i32
    %rem3A = arith.remsi %arg0, %jit3A : i32
    %ne3A_13 = arith.constant 0 : i32
    %ne3A_14 = arith.cmpi ne, %rem3A, %ne3A_13 : i32
    %and3A = arith.andi %ne3A, %ne3A_14 : i1
    %sub3A = arith.constant 1 : i32
    %sub3A_15 = arith.subi %div3A, %sub3A : i32
    %select_n3A = arith.select %and3A, %sub3A_15, %div3A : i32
    %jit3A_16 = arith.constant 2 : i32
    %eq3A = arith.constant 0 : i32
    %eq3A_17 = arith.cmpi eq, %jit3A_16, %eq3A : i32
    %jit3A_18 = arith.constant 1 : i32
    %select_n3A_19 = arith.select %eq3A_17, %jit3A_18, %jit3A_16 : i32
    %rem3A_20 = arith.remsi %arg0, %select_n3A_19 : i32
    %ne3A_21 = arith.constant 0 : i32
    %ne3A_22 = arith.cmpi ne, %rem3A_20, %ne3A_21 : i32
    %lt3A = arith.constant 0 : i32
    %lt3A_23 = arith.cmpi slt, %rem3A_20, %lt3A : i32
    %lt3A_24 = arith.constant 0 : i32
    %lt3A_25 = arith.cmpi slt, %select_n3A_19, %lt3A_24 : i32
    %ne3A_26 = arith.xori %lt3A_23, %lt3A_25 : i1
    %and3A_27 = arith.andi %ne3A_26, %ne3A_22 : i1
    %add3A = arith.addi %rem3A_20, %select_n3A_19 : i32
    %select_n3A_28 = arith.select %and3A_27, %add3A, %rem3A_20 : i32
    %c0_i32 = arith.constant 0 : i32
    %c0_i32_29 = arith.constant 0 : i32
    return %select_n3A, %c0_i32, %select_n3A_28 : i32, i32, i32
  }
  func.func @transform_3(%arg0: i32) -> (i32, i32, i32) {
    %c0_i32 = arith.constant 0 : i32
    %c0_i32_0 = arith.constant 0 : i32
    %c0_i32_1 = arith.constant 0 : i32
    %c0_i32_2 = arith.constant 0 : i32
    return %c0_i32, %c0_i32_0, %c0_i32_1 : i32, i32, i32
  }
  func.func @transform_4(%arg0: i32) -> (i32, i32, i32) {
    %c0_i32 = arith.constant 0 : i32
    %c0_i32_0 = arith.constant 0 : i32
    %c0_i32_1 = arith.constant 0 : i32
    %c0_i32_2 = arith.constant 0 : i32
    return %c0_i32, %c0_i32_0, %c0_i32_1 : i32, i32, i32
  }
  func.func @transform_5(%arg0: i32) -> (i32, i32) {
    %c0_i32 = arith.constant 0 : i32
    %c0_i32_0 = arith.constant 0 : i32
    return %arg0, %c0_i32 : i32, i32
  }
  func.func @transform_6(%arg0: i32) -> (i32, i32, i32) {
    %jit3A = arith.constant 2 : i32
    %div3A = arith.divsi %arg0, %jit3A : i32
    %sign3A = arith.constant 0 : i32
    %sign3A_0 = arith.cmpi sgt, %arg0, %sign3A : i32
    %sign3A_1 = arith.extui %sign3A_0 : i1 to i32
    %sign3A_2 = arith.constant 0 : i32
    %sign3A_3 = arith.cmpi slt, %arg0, %sign3A_2 : i32
    %sign3A_4 = arith.extui %sign3A_3 : i1 to i32
    %sign3A_5 = arith.subi %sign3A_1, %sign3A_4 : i32
    %sign3A_6 = arith.constant 0 : i32
    %sign3A_7 = arith.cmpi sgt, %jit3A, %sign3A_6 : i32
    %sign3A_8 = arith.extui %sign3A_7 : i1 to i32
    %sign3A_9 = arith.constant 0 : i32
    %sign3A_10 = arith.cmpi slt, %jit3A, %sign3A_9 : i32
    %sign3A_11 = arith.extui %sign3A_10 : i1 to i32
    %sign3A_12 = arith.subi %sign3A_8, %sign3A_11 : i32
    %ne3A = arith.cmpi ne, %sign3A_5, %sign3A_12 : i32
    %rem3A = arith.remsi %arg0, %jit3A : i32
    %ne3A_13 = arith.constant 0 : i32
    %ne3A_14 = arith.cmpi ne, %rem3A, %ne3A_13 : i32
    %and3A = arith.andi %ne3A, %ne3A_14 : i1
    %sub3A = arith.constant 1 : i32
    %sub3A_15 = arith.subi %div3A, %sub3A : i32
    %select_n3A = arith.select %and3A, %sub3A_15, %div3A : i32
    %jit3A_16 = arith.constant 2 : i32
    %eq3A = arith.constant 0 : i32
    %eq3A_17 = arith.cmpi eq, %jit3A_16, %eq3A : i32
    %jit3A_18 = arith.constant 1 : i32
    %select_n3A_19 = arith.select %eq3A_17, %jit3A_18, %jit3A_16 : i32
    %rem3A_20 = arith.remsi %arg0, %select_n3A_19 : i32
    %ne3A_21 = arith.constant 0 : i32
    %ne3A_22 = arith.cmpi ne, %rem3A_20, %ne3A_21 : i32
    %lt3A = arith.constant 0 : i32
    %lt3A_23 = arith.cmpi slt, %rem3A_20, %lt3A : i32
    %lt3A_24 = arith.constant 0 : i32
    %lt3A_25 = arith.cmpi slt, %select_n3A_19, %lt3A_24 : i32
    %ne3A_26 = arith.xori %lt3A_23, %lt3A_25 : i1
    %and3A_27 = arith.andi %ne3A_26, %ne3A_22 : i1
    %add3A = arith.addi %rem3A_20, %select_n3A_19 : i32
    %select_n3A_28 = arith.select %and3A_27, %add3A, %rem3A_20 : i32
    %c0_i32 = arith.constant 0 : i32
    %c0_i32_29 = arith.constant 0 : i32
    return %select_n3A, %c0_i32, %select_n3A_28 : i32, i32, i32
  }
}

</mosaic_0001>

<sc_bundles>
// kernel: kernel.5.cloned.1.call-start
scs
__scs_entry_jumppad:
0x0: {  	(pc) =	sbr.rel $0x88, $3  }
0x1: {  	(tag) =	ssettag $0x0;
	lr =	simm.s32 $0x1  }
0x2: {  	[smem:$0x3F9E] =	sst lr;
	_ =	strace $0xD0000000  }
0x3: {  	_ = 	snop  }
0x4: {  	_ = 	snop  }
0x5: {  	_ = 	snop  }
0x6: {  	_ = 	snop  }
0x7: {  	_ = 	snop  }
__scs_overlays_trampoline_lowered:
0x8: {  	[smem:$0x3FAD] =	sst s0  }
0x9: {  	[smem:$0x3FAE] =	sst s1  }
0xa: {  	[smem:$0x3FAF] =	sst s2  }
0xb: {  	[smem:$0x3FB0] =	sst s3  }
0xc: {  	[smem:$0x3FB1] =	sst s4  }
0xd: {  	[smem:$0x3FB2] =	sst s5  }
0xe: {  	[smem:$0x3FB3] =	sst s6  }
0xf: {  	[smem:$0x3FB4] =	sst s7  }
0x10: {  	[smem:$0x3FB5] =	sst s8  }
0x11: {  	[smem:$0x3FB6] =	sst s9;
	s0 =	simm.s32 @!p0 $0x0  }
0x12: {  	s1 =	sld [smem:$0x3F9C];
	s0 =	simm.s32 @p0 $0x1  }
0x13: {  	[smem:$0x3FB7] =	sst s0;
	s0 =	simm.s32 @!p1 $0x0  }
0x14: {  	s2 =	sld [smem:$0x3F9B];
	s0 =	simm.s32 @p1 $0x1  }
0x15: {  	[smem:$0x3FB8] =	sst s0;
	s0 =	simm.s32 @!p2 $0x0  }
0x16: {  	s3 =	sld [smem:$0x3FDB];
	s0 =	simm.s32 @p2 $0x1  }
0x17: {  	s4 =	simm.s32 $0x1BF5;
	[smem:$0x3FBA] =	sst s0  }
0x18: {  	s0 =	sld [smem:$0x3F9D];
	_ =	swait.ge [sflag:s4], $0x0  }
0x19: {  	s7 =	sld [smem:$0x3F9E]  }
0x1a: {  	s8 =	sadd.s32 $0xFFFFE003, lr  }
0x1b: {  	s9 =	sadd.s32 $0xFFFFFEF7, lr;
	s5 =	simm.s32 $0xFFFFFFFF;
	p2 =	slt.u32 s8, $0xFFFFF086  }
0x1c: {  	p1 =	slt.u32 s9, $0xF7A;
	s5 =	simm.s32 @!p2 $0x0  }
0x1d: {  	s5 =	simm.s32 @p1 $0x1;
	p0 =	seq.s32 s7, s2  }
0x1e: {  	s7 =	smul.u32 @!p0 $0xF7A, s2;
	p2 =	seq.s32 @!p0 s5, $0x0  }
0x1f: {  	s9 =	smul.u32 $0xF7A, s1;
	s8 =	simm.s32 @!p0 $0x1BF5;
	p2 =	por !p2, p0  }
0x20: {  	[sflag:s8] =	ssyncset.s32 @!p0 $0xFFFFF086;
	s6 =	sadd.s32 @!p0 s3, s7;
	s7 =	simm.s32 @!p0 $0x108  }
0x21: {  	s3 =	sadd.s32 s3, s9;
	s6 =	sadd.s32 @!p0 $0x88, s6;
	s7 =	simm.s32 @p2 $0x1082  }
0x22: {  	[simem:s7], [sflag:s8] =	dma.local @!p0 [hbm:s6], $0xF7A  }
0x23: {  	s9 =	sor.u32 $0xD0000000, s2;
	s6 =	simm.s32 $0x108;
	_ =	swait.ge @!p0 [sflag:s8], $0x0  }
0x24: {  	s3 =	sadd.s32 $0x88, s3;
	s6 =	simm.s32 @!p1 $0x1082;
	[sflag:s4] =	ssyncset.s32 $0xFFFFF086  }
0x25: {  	[simem:s6], [sflag:s4] =	dma.local [hbm:s3], $0xF7A  }
0x26: {  	[smem:$0x3F9E] =	sst s1;
	(tag) =	ssettag s2;
	_ =	strace s9  }
0x27: {  	s1 =	sld [smem:$0x3FAE]  }
0x28: {  	s2 =	sld [smem:$0x3FAF]  }
0x29: {  	s4 =	sld [smem:$0x3FB1]  }
0x2a: {  	p0 =	seq.s32 s5, $0x0;
	s5 =	sld [smem:$0x3FB2]  }
0x2b: {  	s6 =	sld [smem:$0x3FB3]  }
0x2c: {  	s7 =	sld [smem:$0x3FB4]  }
0x2d: {  	s3 =	simm.s32 $0x108;
	s8 =	sld [smem:$0x3FB5]  }
0x2e: {  	s3 =	simm.s32 @!p0 $0x1082;
	s9 =	sld [smem:$0x3FB6]  }
0x2f: {  	lr =	sadd.s32 s0, s3;
	s0 =	sld [smem:$0x3FAD]  }
0x30: {  	s3 =	sld [smem:$0x3FB0]  }
0x31: {  	[smem:$0x3FB9] =	sst s10  }
0x32: {  	s10 =	sld [smem:$0x3FB7];
	_ =	sdelay $0x3  }
0x33: {  	p0 =	seq.s32 s10, $0x1;
	s10 =	sld [smem:$0x3FB9];
	_ =	sdelay $0x3  }
0x34: {  	[smem:$0x3FB9] =	sst s10  }
0x35: {  	s10 =	sld [smem:$0x3FB8];
	_ =	sdelay $0x3  }
0x36: {  	p1 =	seq.s32 s10, $0x1;
	s10 =	sld [smem:$0x3FB9];
	_ =	sdelay $0x3  }
0x37: {  	[smem:$0x3FB9] =	sst s10  }
0x38: {  	s10 =	sld [smem:$0x3FBA]  }
0x39: {  	_ = 	snop;
	(pc) =	sbr.ind lr, $3  }
0x3a: {  	_ = 	snop  }
0x3b: {  	_ = 	snop  }
0x3c: {  	p2 =	seq.s32 s10, $0x1;
	s10 =	sld [smem:$0x3FB9]  }
0x3d: {  	_ =	shalt  }
0x3e: {  	_ =	shalt  }
0x3f: {  	_ =	shalt  }
0x40: {  	_ =	shalt  }
0x41: {  	_ =	shalt  }
0x42: {  	_ =	shalt  }
0x43: {  	_ =	shalt  }
0x44: {  	_ =	shalt  }
0x45: {  	_ =	shalt  }
0x46: {  	_ =	shalt  }
0x47: {  	_ =	shalt  }
0x48: {  	_ =	shalt  }
0x49: {  	_ =	shalt  }
0x4a: {  	_ =	shalt  }
0x4b: {  	_ =	shalt  }
0x4c: {  	_ =	shalt  }
0x4d: {  	_ =	shalt  }
0x4e: {  	_ =	shalt  }
0x4f: {  	_ =	shalt  }
0x50: {  	_ =	shalt  }
0x51: {  	_ =	shalt  }
0x52: {  	_ =	shalt  }
0x53: {  	_ =	shalt  }
0x54: {  	_ =	shalt  }
0x55: {  	_ =	shalt  }
0x56: {  	_ =	shalt  }
0x57: {  	_ =	shalt  }
0x58: {  	_ =	shalt  }
0x59: {  	_ =	shalt  }
0x5a: {  	_ =	shalt  }
0x5b: {  	_ =	shalt  }
0x5c: {  	_ =	shalt  }
0x5d: {  	_ =	shalt  }
0x5e: {  	_ =	shalt  }
0x5f: {  	_ =	shalt  }
0x60: {  	_ =	shalt  }
0x61: {  	_ =	shalt  }
0x62: {  	_ =	shalt  }
0x63: {  	_ =	shalt  }
0x64: {  	_ =	shalt  }
0x65: {  	_ =	shalt  }
0x66: {  	_ =	shalt  }
0x67: {  	_ =	shalt  }
0x68: {  	_ =	shalt  }
0x69: {  	_ =	shalt  }
0x6a: {  	_ =	shalt  }
0x6b: {  	_ =	shalt  }
0x6c: {  	_ =	shalt  }
0x6d: {  	_ =	shalt  }
0x6e: {  	_ =	shalt  }
0x6f: {  	_ =	shalt  }
0x70: {  	_ =	shalt  }
0x71: {  	_ =	shalt  }
0x72: {  	_ =	shalt  }
0x73: {  	_ =	shalt  }
0x74: {  	_ =	shalt  }
0x75: {  	_ =	shalt  }
0x76: {  	_ =	shalt  }
0x77: {  	_ =	shalt  }
0x78: {  	_ =	shalt  }
0x79: {  	_ =	shalt  }
0x7a: {  	_ =	shalt  }
0x7b: {  	_ =	shalt  }
0x7c: {  	_ =	shalt  }
0x7d: {  	_ =	shalt  }
0x7e: {  	_ =	shalt  }
0x7f: {  	_ =	shalt  }
0x80: {  	_ =	shalt  }
0x81: {  	_ =	shalt  }
0x82: {  	_ =	shalt  }
0x83: {  	_ =	shalt  }
0x84: {  	_ =	shalt  }
0x85: {  	_ =	shalt  }
0x86: {  	_ =	shalt  }
0x87: {  	_ =	shalt  }
.Lfunc_end0:
.L_simem_size_0:
called_computation_lowered:
.L_overlay_start_0:
0x88: {  	s2 =	sld [smem:$0x3FD9]  }
0x89: {  	s3 =	sld [smem:$0x3FFE];
	_ =	sdelay $0x1  }
0x8a: {  	s1 =	srdreg.scid  }
0x8b: {  	s0 =	sand.u32 $0x1, s1  }
0x8c: {  	s14 =	sshll.u32 s0, $0xA;
	s2 =	sadd.s32 s3, s2  }
0x8d: {  	s2 =	sadd.s32 s2, s14  }
0x8e: {  	[smem:$0x3FC5] =	sst s2  }
0x8f: {  	_ = 	snop  }
0x90: {  	s2 =	sld [smem:$0x3FD0];
	_ =	sdelay $0x2  }
0x91: {  	s4 =	simm.s32 $0xA;
	s5 =	simm.s32 $0x10;
	s15 =	sld [smem:$0x3FC7]  }
0x92: {  	[smem:s5], [sflag:s4] =	dma.local [hbm:s2], $0x1  }
0x93: {  	_ =	swait.eq [sflag:s4], $0x1  }
0x94: {  	[sflag:s4] =	ssyncset.done $0x0  }
0x95: {  	[sflag:s4] =	ssyncadd.s32 $0xFFFFFFFF  }
0x96: {  	s16 =	sld [smem:$0x10];
	(tm) =	ssettm $0x1  }
0x97: {  	s17 =	sld [smem:$0x3FFB];
	_ =	sdelay $0x3  }
0x98: {  	_ =	strace s17  }
0x99: {  	s4 =	sld [smem:$0x3FFC];
	_ =	sdelay $0x3  }
0x9a: {  	_ =	strace s4  }
0x9b: {  	s4 =	sld [smem:$0x3FFD];
	_ =	sdelay $0x3  }
0x9c: {  	_ =	strace s4  }
0x9d: {  	_ =	strace $0x8FFFFFFF  }
0x9e: {  	s18 =	sld [smem:$0x3FDB];
	_ =	sdelay $0x1  }
0x9f: {  	s19 =	simm.s32 $_scs_section_size  }
0xa0: {  	s6 =	simm.s32 $_size__tile_overlayer_lowered;
	s7 =	simm.s32 $_tile_overlayer_lowered  }
0xa1: {  	s22 =	simm.s32 $0x1BFF;
	s21 =	sshll.u32 s7, $0x1;
	s4 =	sadd.s32 s19, s18  }
0xa2: {  	s8 =	simm.s32 $0x0;
	s20 =	sshll.u32 s6, $0x1;
	s6 =	sadd.s32 s21, s4  }
0xa3: {  	[timem:s8], [sflag:s22] =	dma.local [hbm:s6], s20  }
0xa4: {  	_ =	swait.ge [sflag:s22], s20  }
0xa5: {  	s5 =	ssub.s32 $0x0, s20;
	[sflag:s22] =	ssyncset.done $0x0  }
0xa6: {  	[sflag:s22] =	ssyncadd.s32 s5;
	_ =	sdelay $0x1  }
0xa7: {  	s23 =	simm.s32 $0x1B8B  }
0xa8: {  	_ =	swait.ge [sflag:s23], $0x1  }
0xa9: {  	[sflag:s23] =	ssyncset.done $0x0  }
0xaa: {  	s25 =	simm.s32 $0x1B8E;
	s24 =	sld [smem:$0x3FFE];
	[sflag:s23] =	ssyncadd.s32 $0xFFFFFFFF  }
0xab: {  	s26 =	simm.s32 $execute0_lowered;
	[smem:$0x3FD2] =	sst s25  }
0xac: {  	s6 =	sshll.u32 s26, $0x1;
	_ =	strace $0x80000046;
	[dreg:$0x1] =	wrdreg $0xFFFFFFFF  }
0xad: {  	s28 =	simm.s32 $_size_execute0_lowered;
	s4 =	sadd.s32 s4, s6;
	[dreg:$0x0] =	wrdreg $0x0  }
0xae: {  	s6 =	sshll.u32 s28, $0x1;
	[dreg:$0x2] =	wrdreg s4  }
0xaf: {  	[dreg:$0x3] =	wrdreg s6  }
0xb0: {  	[dreg:$0x4] =	wrdreg $0xC0  }
0xb1: {  	_ =	task [dreg:s8], $0x5FFFF  }
0xb2: {  	[dreg:$0x1] =	wrdreg $0xFFFFFFFF  }
0xb3: {  	[dreg:$0x0] =	wrdreg $0x60  }
0xb4: {  	[dreg:$0x2] =	wrdreg s15  }
0xb5: {  	[dreg:$0x3] =	wrdreg s24  }
0xb6: {  	[dreg:$0x4] =	wrdreg s16  }
0xb7: {  	[dreg:$0x5] =	wrdreg $0x9  }
0xb8: {  	_ =	task.clear_ibuf [dreg:s8], $0x6FFFF;
	_ =	strace $0x90000046  }
0xb9: {  	s29 =	simm.s32 $0x9;
	_ =	strace $0x80000048  }
0xba: {  	_ =	swait.ge [sflag:s29], $0x1  }
0xbb: {  	[sflag:s29] =	ssyncadd.s32 $0xFFFFFFFF  }
0xbc: {  	_ =	strace $0x90000048  }
0xbd: {  	_ =	sfence  }
0xbe: {  	s30 =	sld [smem:$0x0];
	_ =	sdelay $0x2  }
0xbf: {  	s31 =	sshll.u32 s1, $0xD;
	s1 =	sshrl.u32 s1, $0x2  }
0xc0: {  	s3 =	sand.u32 $0x4000, s31;
	s1 =	sadd.s32 s1, s30  }
0xc1: {  	s0 =	sor.u32 s3, s0;
	s1 =	sshll.u32 s1, $0x11  }
0xc2: {  	s0 =	sor.u32 s1, s0  }
0xc3: {  	s0 =	sadd.s32 $0x8F2B, s0  }
0xc4: {  	[sflag:s0] =	ssyncadd.remote.s32 $0x1  }
0xc5: {  	_ =	sfence.sel $0xFFFF  }
0xc6: {  	[dreg:$0x0] =	wrdreg $0xFFFFFFFF;
	(pc) =	sbr.abs _section_cstart, $3  }
0xc7: {  	[dreg:$0x1] =	wrdreg $0xFFFFFFFF  }
0xc8: {  	_ =	task.clear_ibuf [dreg:s8], $0x2FFFF;
	_ =	strace $0x9FFFFFFF  }
0xc9: {  	(tm) =	ssettm $0x7FFFFFFF  }
tec
execute0_lowered:
.L_overlay_start_1:
0x0: {  	(tag) =	ssettag $0x1  }
0x1: {  	s1 =	rddreg [dreg:$0x0];
	s2 =	srdreg.scid  }
0x2: {  	s0 =	stileid.u32;
	s4 =	rddreg [dreg:$0x1]  }
0x3: {  	s6 =	rddreg [dreg:$0x2];
	s3 =	simm.s32 $0x0;
	s10 =	simm.s32 $0x1100  }
0x4: {  	s11 =	simm.s32 $0x1900;
	s12 =	simm.s32 $0x2100;
	s13 =	simm.s32 $0x2900  }
0x5: {  	s14 =	simm.s32 $0x3100;
	s15 =	simm.s32 $0x3900;
	s16 =	simm.s32 $0x4100  }
0x6: {  	s17 =	simm.s32 $0x4900;
	s18 =	simm.s32 $0x5100;
	s19 =	simm.s32 $0x5900  }
0x7: {  	s20 =	simm.s32 $0x6100;
	s21 =	simm.s32 $0x6900;
	s22 =	simm.s32 $0x7100  }
0x8: {  	s23 =	simm.s32 $0x7900;
	s5 =	sand.u32 $0x1, s2;
	s31 =	sshll.u32 s0, $0x1  }
0x9: {  	s24 =	simm.s32 $0x8100;
	s25 =	simm.s32 $0x8900;
	s7 =	sor.u32 s5, s31  }
0xa: {  	s26 =	simm.s32 $0x1;
	s5 =	ssub.s32 $0x2, s5;
	s8 =	smul.u32 $0x12, s7  }
0xb: {  	[smem:$0x7FF] =	sst s3;
	s7 =	smul.u32 $0x1200, s7;
	s9 =	sshrl.u32 s5, $0x1  }
0xc: {  	v2 =	vlaneseq.u32;
	s2 =	rddreg [dreg:$0x3];
	_ =	strace $0x80000047;
	s9 =	ssub.s32 s5, s9  }
0xd: {  	vm0 =	vmmov $0xffff;
	v1 =	vshrl.u32 v2, $0x3;
	s4 =	sadd.s32 s4, s8;
	s5 =	sadd.s32 s6, s7;
	s6 =	smax.u32 s9, $0x1  }
0xe: {  	v0 =	vand.u32 $0x7, v2;
	v2 =	vor.u32 $0x8, v2;
	v1 =	vmul.u32 $0x8, v1;
	s7 =	simm.s32 $0x2;
	s8 =	simm.s32 $0x100;
	s9 =	simm.s32 $0x900  }
.LBB2_1:
0xf: {  	[tilespmem:s3], [sflag:$0x2] =	stream.linear.gather [hbm4b:s4+s3], $0x90, $0x38;
	[tilespmem:$0x9100] =	vst v63  }
0x10: {  	_ =	swait.ge [sflag:s7], $0x90  }
0x11: {  	[sflag:s7] =	ssyncset.done $0x0  }
0x12: {  	[sflag:s7] =	ssyncadd.s32 $0xFFFFFF70  }
0x13: {  	v3 =	vld [tilespmem:$0x0];
	_ =	sdelay $0x4  }
0x14: {  	v4 =	vshll.u32 v3, $0x1  }
0x15: {  	v3 =	vand.u32 $0x7, v3;
	v4 =	vand.u32 $0xFFFFFFF0, v4  }
0x16: {  	v3 =	vor.u32 v3, v4  }
0x17: {  	v4 =	vperm.xlane v3, v0;
	_ =	sdelay $0x1  }
0x18: {  	v3 =	vperm.xlane v3, v2;
	v4 =	vadd.s32 v1, v4;
	_ =	sdelay $0x1  }
0x19: {  	v3 =	vadd.s32 v1, v3;
	_ =	sdelay $0x2  }
0x1a: {  	[tilespmem:s8], [sflag:$0x1] =	stream.indirect_vreg.gather [hbm4b:s1+s3], $0x80, v4, vm0, $0xb8;
	[tilespmem:$0x9100] =	vst v63  }
0x1b: {  	_ = 	snop  }
0x1c: {  	[tilespmem:s9], [sflag:$0x1] =	stream.indirect_vreg.gather [hbm4b:s1+s3], $0x80, v3, vm0, $0xb8;
	[tilespmem:$0x9100] =	vst v63  }
0x1d: {  	v3 =	vld [tilespmem:$0x10];
	_ =	sdelay $0x4  }
0x1e: {  	v56 =	vshll.u32 v3, $0x1  }
0x1f: {  	v3 =	vand.u32 $0x7, v3;
	v4 =	vand.u32 $0xFFFFFFF0, v56  }
0x20: {  	v3 =	vor.u32 v3, v4  }
0x21: {  	v4 =	vperm.xlane v3, v0;
	_ =	sdelay $0x1  }
0x22: {  	v3 =	vperm.xlane v3, v2;
	v4 =	vadd.s32 v1, v4;
	_ =	sdelay $0x1  }
0x23: {  	v3 =	vadd.s32 v1, v3;
	_ =	sdelay $0x2  }
0x24: {  	[tilespmem:s10], [sflag:$0x1] =	stream.indirect_vreg.gather [hbm4b:s1+s3], $0x80, v4, vm0, $0xb8;
	[tilespmem:$0x9100] =	vst v63  }
0x25: {  	_ = 	snop  }
0x26: {  	[tilespmem:s11], [sflag:$0x1] =	stream.indirect_vreg.gather [hbm4b:s1+s3], $0x80, v3, vm0, $0xb8;
	[tilespmem:$0x9100] =	vst v63  }
0x27: {  	v3 =	vld [tilespmem:$0x20];
	_ =	sdelay $0x4  }
0x28: {  	v57 =	vshll.u32 v3, $0x1  }
0x29: {  	v3 =	vand.u32 $0x7, v3;
	v4 =	vand.u32 $0xFFFFFFF0, v57  }
0x2a: {  	v3 =	vor.u32 v3, v4  }
0x2b: {  	v4 =	vperm.xlane v3, v0;
	_ =	sdelay $0x1  }
0x2c: {  	v3 =	vperm.xlane v3, v2;
	v4 =	vadd.s32 v1, v4;
	_ =	sdelay $0x1  }
0x2d: {  	v3 =	vadd.s32 v1, v3;
	_ =	sdelay $0x2  }
0x2e: {  	[tilespmem:s12], [sflag:$0x1] =	stream.indirect_vreg.gather [hbm4b:s1+s3], $0x80, v4, vm0, $0xb8;
	[tilespmem:$0x9100] =	vst v63  }
0x2f: {  	_ = 	snop  }
0x30: {  	[tilespmem:s13], [sflag:$0x1] =	stream.indirect_vreg.gather [hbm4b:s1+s3], $0x80, v3, vm0, $0xb8;
	[tilespmem:$0x9100] =	vst v63  }
0x31: {  	v3 =	vld [tilespmem:$0x30];
	_ =	sdelay $0x4  }
0x32: {  	v58 =	vshll.u32 v3, $0x1  }
0x33: {  	v3 =	vand.u32 $0x7, v3;
	v4 =	vand.u32 $0xFFFFFFF0, v58  }
0x34: {  	v3 =	vor.u32 v3, v4  }
0x35: {  	v4 =	vperm.xlane v3, v0;
	_ =	sdelay $0x1  }
0x36: {  	v3 =	vperm.xlane v3, v2;
	v4 =	vadd.s32 v1, v4;
	_ =	sdelay $0x1  }
0x37: {  	v3 =	vadd.s32 v1, v3;
	_ =	sdelay $0x2  }
0x38: {  	[tilespmem:s14], [sflag:$0x1] =	stream.indirect_vreg.gather [hbm4b:s1+s3], $0x80, v4, vm0, $0xb8;
	[tilespmem:$0x9100] =	vst v63  }
0x39: {  	_ = 	snop  }
0x3a: {  	[tilespmem:s15], [sflag:$0x1] =	stream.indirect_vreg.gather [hbm4b:s1+s3], $0x80, v3, vm0, $0xb8;
	[tilespmem:$0x9100] =	vst v63  }
0x3b: {  	v3 =	vld [tilespmem:$0x40];
	_ =	sdelay $0x4  }
0x3c: {  	v59 =	vshll.u32 v3, $0x1  }
0x3d: {  	v3 =	vand.u32 $0x7, v3;
	v4 =	vand.u32 $0xFFFFFFF0, v59  }
0x3e: {  	v3 =	vor.u32 v3, v4  }
0x3f: {  	v4 =	vperm.xlane v3, v0;
	_ =	sdelay $0x1  }
0x40: {  	v3 =	vperm.xlane v3, v2;
	v4 =	vadd.s32 v1, v4;
	_ =	sdelay $0x1  }
0x41: {  	v3 =	vadd.s32 v1, v3;
	_ =	sdelay $0x2  }
0x42: {  	[tilespmem:s16], [sflag:$0x1] =	stream.indirect_vreg.gather [hbm4b:s1+s3], $0x80, v4, vm0, $0xb8;
	[tilespmem:$0x9100] =	vst v63  }
0x43: {  	_ = 	snop  }
0x44: {  	[tilespmem:s17], [sflag:$0x1] =	stream.indirect_vreg.gather [hbm4b:s1+s3], $0x80, v3, vm0, $0xb8;
	[tilespmem:$0x9100] =	vst v63  }
0x45: {  	v3 =	vld [tilespmem:$0x50];
	_ =	sdelay $0x4  }
0x46: {  	v60 =	vshll.u32 v3, $0x1  }
0x47: {  	v3 =	vand.u32 $0x7, v3;
	v4 =	vand.u32 $0xFFFFFFF0, v60  }
0x48: {  	v3 =	vor.u32 v3, v4  }
0x49: {  	v4 =	vperm.xlane v3, v0;
	_ =	sdelay $0x1  }
0x4a: {  	v3 =	vperm.xlane v3, v2;
	v4 =	vadd.s32 v1, v4;
	_ =	sdelay $0x1  }
0x4b: {  	v3 =	vadd.s32 v1, v3;
	_ =	sdelay $0x2  }
0x4c: {  	[tilespmem:s18], [sflag:$0x1] =	stream.indirect_vreg.gather [hbm4b:s1+s3], $0x80, v4, vm0, $0xb8;
	[tilespmem:$0x9100] =	vst v63  }
0x4d: {  	_ = 	snop  }
0x4e: {  	[tilespmem:s19], [sflag:$0x1] =	stream.indirect_vreg.gather [hbm4b:s1+s3], $0x80, v3, vm0, $0xb8;
	[tilespmem:$0x9100] =	vst v63  }
0x4f: {  	v3 =	vld [tilespmem:$0x60];
	_ =	sdelay $0x4  }
0x50: {  	v61 =	vshll.u32 v3, $0x1  }
0x51: {  	v3 =	vand.u32 $0x7, v3;
	v4 =	vand.u32 $0xFFFFFFF0, v61  }
0x52: {  	v3 =	vor.u32 v3, v4  }
0x53: {  	v4 =	vperm.xlane v3, v0;
	_ =	sdelay $0x1  }
0x54: {  	v3 =	vperm.xlane v3, v2;
	v4 =	vadd.s32 v1, v4;
	_ =	sdelay $0x1  }
0x55: {  	v3 =	vadd.s32 v1, v3;
	_ =	sdelay $0x2  }
0x56: {  	[tilespmem:s20], [sflag:$0x1] =	stream.indirect_vreg.gather [hbm4b:s1+s3], $0x80, v4, vm0, $0xb8;
	[tilespmem:$0x9100] =	vst v63  }
0x57: {  	_ = 	snop  }
0x58: {  	[tilespmem:s21], [sflag:$0x1] =	stream.indirect_vreg.gather [hbm4b:s1+s3], $0x80, v3, vm0, $0xb8;
	[tilespmem:$0x9100] =	vst v63  }
0x59: {  	v3 =	vld [tilespmem:$0x70];
	_ =	sdelay $0x4  }
0x5a: {  	v62 =	vshll.u32 v3, $0x1  }
0x5b: {  	v3 =	vand.u32 $0x7, v3;
	v4 =	vand.u32 $0xFFFFFFF0, v62  }
0x5c: {  	v3 =	vor.u32 v3, v4  }
0x5d: {  	v4 =	vperm.xlane v3, v0;
	_ =	sdelay $0x1  }
0x5e: {  	v3 =	vperm.xlane v3, v2;
	v4 =	vadd.s32 v1, v4;
	_ =	sdelay $0x1  }
0x5f: {  	v3 =	vadd.s32 v1, v3;
	_ =	sdelay $0x2  }
0x60: {  	[tilespmem:s22], [sflag:$0x1] =	stream.indirect_vreg.gather [hbm4b:s1+s3], $0x80, v4, vm0, $0xb8;
	[tilespmem:$0x9100] =	vst v63  }
0x61: {  	_ = 	snop  }
0x62: {  	[tilespmem:s23], [sflag:$0x1] =	stream.indirect_vreg.gather [hbm4b:s1+s3], $0x80, v3, vm0, $0xb8;
	[tilespmem:$0x9100] =	vst v63  }
0x63: {  	v3 =	vld [tilespmem:$0x80];
	_ =	sdelay $0x4  }
0x64: {  	v63 =	vshll.u32 v3, $0x1  }
0x65: {  	v3 =	vand.u32 $0x7, v3;
	v4 =	vand.u32 $0xFFFFFFF0, v63  }
0x66: {  	v3 =	vor.u32 v3, v4  }
0x67: {  	v4 =	vperm.xlane v3, v0;
	_ =	sdelay $0x1  }
0x68: {  	v3 =	vperm.xlane v3, v2;
	v4 =	vadd.s32 v1, v4;
	_ =	sdelay $0x1  }
0x69: {  	v3 =	vadd.s32 v1, v3;
	_ =	sdelay $0x2  }
0x6a: {  	[tilespmem:s24], [sflag:$0x1] =	stream.indirect_vreg.gather [hbm4b:s1+s3], $0x80, v4, vm0, $0xb8;
	[tilespmem:$0x9100] =	vst v63  }
0x6b: {  	_ = 	snop  }
0x6c: {  	[tilespmem:s25], [sflag:$0x1] =	stream.indirect_vreg.gather [hbm4b:s1+s3], $0x80, v3, vm0, $0xb8;
	[tilespmem:$0x9100] =	vst v63  }
0x6d: {  	_ =	swait.ge [sflag:s26], $0x9000  }
0x6e: {  	p0 =	sne.s32 s6, $0x1;
	[sflag:s26] =	ssyncset.done $0x0  }
.Ltmp0:
0x6f: {  	[sflag:s26] =	ssyncadd.s32 $0xFFFF7000;
	(pc) =	sbr.rel @p0 .LBB2_1-.Ltmp0, $4  }
0x70: {  	[hbm4b:s5+s3] =	stream.linear.scatter [tilespmem:s8], [sflag:$0x2], $0x9000, $0x38;
	[tilespmem:$0x9100] =	vst v63  }
0x71: {  	_ =	swait.ge [sflag:s7], $0x9000  }
0x72: {  	[sflag:s7] =	ssyncset.done $0x0  }
0x73: {  	s6 =	sadd.s32 $0xFFFFFFFF, s6;
	[sflag:s7] =	ssyncadd.s32 $0xFFFF7000  }
0x74: {  	_ =	sfence.sel $0x180000  }
0x75: {  	[bflag:$0x0] =	sbarrier.arrive $0xFFFF  }
0x76: {  	p0 =	sne.s32 s0, $0x0;
	_ =	strace $0x90000047  }
0x77: {  	s0 =	sadd.s32 @!p0 $0x100000, s2;
	[bflag:$0x2] =	sbarrier.arrive $0xFFFF  }
0x78: {  	[sflag:s0] =	ssyncadd.tile.s32 @!p0 $0x1;
	_ =	shalt  }
.Lfunc_end2:
_tile_overlayer_lowered:
.L_overlay_start_2:
0x79: {  	(tag) =	ssettag $0x2  }
0x7a: {  	s0 =	rddreg [dreg:$0x0];
	s2 =	stileid.u32  }
0x7b: {  	s1 =	rddreg [dreg:$0x1];
	p0 =	sne.s32 s2, $0x0  }
0x7c: {  	s3 =	rddreg [dreg:$0x2];
	[bflag:$0x3] =	sbarrier.arrive $0xFFFF;
	s2 =	simm.s32 @!p0 $0x1C02  }
0x7d: {  	[timem:s3], [sflag:s2] =	dma.local @!p0 [hbm:s0], s1  }
0x7e: {  	s0 =	simm.s32 @!p0 $0x2  }
0x7f: {  	_ =	swait.ge @!p0 [sflag:s0], s1  }
0x80: {  	s1 =	ssub.s32 @!p0 $0x0, s1;
	[sflag:s0] =	ssyncset.done @!p0 $0x0  }
0x81: {  	[sflag:s0] =	ssyncadd.s32 @!p0 s1  }
0x82: {  	[bflag:$0x3] =	sbarrier.arrive $0xFFFF  }
0x83: {  	_ =	shalt  }

</sc_bundles>
